<compile_context>
chip_gen: v7x
topology: tpu7x:2x2x1
jax: 0.10.2.dev20260603
libtpu: 0.0.44.dev20260713+nightly
codegen_flags: <defaults>
</compile_context>

<pallas_src>
import functools

import jax
import jax.numpy as jnp
from jax.experimental import pallas as pl
from jax.experimental.pallas import tpu as pltpu


def _stats_body(x_ref, out_ref, xbf_ref):
    xb = x_ref[...]
    xbf_ref[...] = xb.astype(jnp.bfloat16)
    s = jnp.sum(xb, axis=0)
    q = jnp.sum(xb * xb, axis=0)
    partial = jnp.stack([s, q])

    @pl.when(pl.program_id(0) == 0)
    def _init():
        out_ref[...] = partial

    @pl.when(pl.program_id(0) != 0)
    def _acc():
        out_ref[...] = out_ref[...] + partial


def _rnn_body(x_ref, stats_ref, bn_ref, Wx_ref, Wh_ref, b_ref, Wd_ref,
              bd_ref, out_ref, hall_ref, Wx2_ref, b2_ref, *, inv_m, T):
    bidx = pl.program_id(0)

    @pl.when(bidx == 0)
    def _fold_bn():
        mean = stats_ref[0:1, :] * inv_m
        var = stats_ref[1:2, :] * inv_m - mean * mean
        scale = bn_ref[0:1, :] * jax.lax.rsqrt(var + 1e-5)
        shift = bn_ref[1:2, :] - mean * scale
        Wx2_ref[...] = (Wx_ref[...] * jnp.transpose(scale)).astype(
            jnp.bfloat16)
        b2_ref[...] = b_ref[...] + jnp.dot(
            shift, Wx_ref[...], preferred_element_type=jnp.float32)

    nb = hall_ref.shape[0] // T
    b2 = b2_ref[...]
    p = jnp.dot(x_ref[...], Wx2_ref[...],
                preferred_element_type=jnp.float32) + b2
    chains = 2
    c = nb // chains
    hs = [None] * chains
    for t in range(T):
        base = t * nb
        for k in range(chains):
            lo = base + k * c
            pre = p[lo:lo + c]
            if hs[k] is not None:
                pre = pre + jnp.dot(hs[k], Wh_ref[...],
                                    preferred_element_type=jnp.float32)
            hs[k] = jnp.tanh(pre).astype(jnp.bfloat16)
            hall_ref[lo:lo + c] = hs[k]

    res = jnp.dot(hall_ref[...], Wd_ref[...],
                  preferred_element_type=jnp.float32)
    out_ref[...] = res + bd_ref[...]


def kernel(x, bn_gamma, bn_beta, Wx, Wh, b, Wd, bd):
    B, T, N, F = x.shape
    H = Wh.shape[0]
    O = Wd.shape[1]
    M = B * T * N

    rows = N
    for cand in (16000, 8000, 4000, 2000):
        if M % cand == 0:
            rows = cand
            break
    x2 = x.reshape(M, F)
    stats, xbf = pl.pallas_call(
        _stats_body,
        grid=(M // rows,),
        in_specs=[pl.BlockSpec((rows, F), lambda i: (i, 0))],
        out_specs=[
            pl.BlockSpec((2, F), lambda i: (0, 0)),
            pl.BlockSpec((rows, F), lambda i: (i, 0)),
        ],
        out_shape=[
            jax.ShapeDtypeStruct((2, F), jnp.float32),
            jax.ShapeDtypeStruct((M, F), jnp.bfloat16),
        ],
    )(x2)

    tn = T * N
    bn = jnp.stack([bn_gamma, bn_beta])
    full = lambda shape: pl.BlockSpec(shape, lambda bi: (0, 0))
    out = pl.pallas_call(
        functools.partial(_rnn_body, inv_m=1.0 / M, T=T),
        grid=(B,),
        in_specs=[
            pl.BlockSpec((tn, F), lambda bi: (bi, 0)),
            full((2, F)),
            full((2, F)),
            full((F, H)),
            full((H, H)),
            full((1, H)),
            full((H, O)),
            full((1, O)),
        ],
        out_specs=pl.BlockSpec((tn, O), lambda bi: (bi, 0)),
        out_shape=jax.ShapeDtypeStruct((M, O), jnp.float32),
        scratch_shapes=[
            pltpu.VMEM((tn, H), jnp.bfloat16),
            pltpu.VMEM((F, H), jnp.bfloat16),
            pltpu.VMEM((1, H), jnp.float32),
        ],
        compiler_params=pltpu.CompilerParams(
            vmem_limit_bytes=100 * 1024 * 1024),
    )(xbf, stats, bn, Wx, Wh.astype(jnp.bfloat16), b.reshape(1, H),
      Wd.astype(jnp.bfloat16), bd.reshape(1, O))
    return out.reshape(B, T, N, O)

# --- scband reference (transcript-rebuilt; emitter-appended) ---
"""Pipeline reference for scband-model-85615878078986 (READ-ONLY COPY).

The authoritative reference and input builder live on the scoring server;
editing this copy changes nothing except your own understanding.
"""

import jax, jax.numpy as jnp
import numpy as np

B, T, N, F, H, O = 16, 12, 2000, 128, 64, 64


def setup_inputs(seed: int = 0) -> dict:
    key = jax.random.key(seed)
    ks = jax.random.split(key, 6)
    x = jax.random.normal(ks[0], (B, T, N, F), dtype=jnp.float32)
    bn_gamma = jnp.ones((F,), dtype=jnp.float32)
    bn_beta = jnp.zeros((F,), dtype=jnp.float32)
    Wx = jax.random.normal(ks[1], (F, H), dtype=jnp.float32) * (1.0 / np.sqrt(F))
    Wh = jax.random.normal(ks[2], (H, H), dtype=jnp.float32) * (1.0 / np.sqrt(H))
    b = jnp.zeros((H,), dtype=jnp.float32)
    Wd = jax.random.normal(ks[3], (H, O), dtype=jnp.float32) * (1.0 / np.sqrt(H))
    bd = jnp.zeros((O,), dtype=jnp.float32)
    return {"x": x, "bn_gamma": bn_gamma, "bn_beta": bn_beta, "Wx": Wx, "Wh": Wh, "b": b, "Wd": Wd, "bd": bd}


def reference(x, bn_gamma, bn_beta, Wx, Wh, b, Wd, bd):
    # x: [B, T, N, F]. Torch does transpose(1,-1) -> BatchNorm2d(F) -> transpose back:
    # i.e. per-feature normalization with stats over (B, N, T) (training-mode batch stats).
    mean = jnp.mean(x, axis=(0, 1, 2))
    var = jnp.var(x, axis=(0, 1, 2))
    xn = (x - mean) * jax.lax.rsqrt(var + 1e-5) * bn_gamma + bn_beta
    # transpose(0,1): time-major [T, B, N, F]
    xt = jnp.transpose(xn, (1, 0, 2, 3))
    # GraphRNNCell: per-node shared-weight vanilla RNN cell, state = (h,)
    h = jnp.zeros((x.shape[0], x.shape[2], Wh.shape[0]), dtype=x.dtype)
    outs = []
    for i in range(xt.shape[0]):
        h = jnp.tanh(xt[i] @ Wx + h @ Wh + b)
        outs.append(h)
    res = jnp.stack(outs)               # [T, B, N, H]
    res = jnp.transpose(res, (1, 0, 2, 3))  # [B, T, N, H]
    return res @ Wd + bd                # [B, T, N, O]

if __name__ == "__main__":
    import jax
    _d = setup_inputs()
    print(jax.jit(kernel)(*tuple(_d.values())))

</pallas_src>

<mosaic_0001>
module attributes {stable_mosaic.version = 14 : i64} {
  func.func @_stats_body(%arg0: i32, %arg1: memref<16000x128xf32, #tpu.memory_space<vmem>>, %arg2: memref<2x128xf32, #tpu.memory_space<vmem>>, %arg3: memref<16000x128xbf16, #tpu.memory_space<vmem>>) attributes {dimension_semantics = [#tpu.dimension_semantics<arbitrary>], iteration_bounds = array<i64: 24>, scalar_prefetch = 0 : i64, scratch_operands = 0 : i64, tpu.core_type = #tpu.core_type<tc>, window_params = [{transform_indices = @transform_0, window_bounds = array<i64: 16000, 128>}, {pipeline_mode = #tpu.pipeline_mode<synchronous>, transform_indices = @transform_1, window_bounds = array<i64: 2, 128>}, {transform_indices = @transform_2, window_bounds = array<i64: 16000, 128>}]} {
    %get3A = arith.constant 0 : index
    %get3A_0 = arith.constant 0 : index
    %get3A_1 = vector.load %arg1[%get3A, %get3A_0] : memref<16000x128xf32, #tpu.memory_space<vmem>>, vector<16000x128xf32>
    %convert_element_type3A = arith.truncf %get3A_1 : vector<16000x128xf32> to vector<16000x128xbf16>
    %swap3A = arith.constant 0 : index
    %swap3A_2 = arith.constant 0 : index
    %swap3A_3 = vector.load %arg3[%swap3A, %swap3A_2] : memref<16000x128xbf16, #tpu.memory_space<vmem>>, vector<16000x128xbf16>
    tpu.vector_store %arg3[%swap3A, %swap3A_2], %convert_element_type3A {strides = array<i32>} : memref<16000x128xbf16, #tpu.memory_space<vmem>>, vector<16000x128xbf16>,
    %reduce_sum3A = arith.constant dense<0.000000e+00> : vector<128xf32>
    %reduce_sum3A_4 = vector.multi_reduction <add>, %get3A_1, %reduce_sum3A [0] : vector<16000x128xf32> to vector<128xf32>
    %mul3A = arith.mulf %get3A_1, %get3A_1 : vector<16000x128xf32>
    %reduce_sum3A_5 = arith.constant dense<0.000000e+00> : vector<128xf32>
    %reduce_sum3A_6 = vector.multi_reduction <add>, %mul3A, %reduce_sum3A_5 [0] : vector<16000x128xf32> to vector<128xf32>
    %stack3A = vector.shape_cast %reduce_sum3A_4 : vector<128xf32> to vector<1x128xf32>
    %stack3A_7 = vector.shape_cast %reduce_sum3A_6 : vector<128xf32> to vector<1x128xf32>
    %stack3A_8 = tpu.concatenate %stack3A, %stack3A_7 in 0 : vector<1x128xf32>, vector<1x128xf32> -> vector<2x128xf32>
    %eq3A = arith.constant 0 : i32
    %eq3A_9 = arith.cmpi eq, %arg0, %eq3A : i32
    %convert_element_type3A_10 = arith.extui %eq3A_9 : i1 to i32
    %cond3A = arith.constant 0 : i32
    %cond3A_11 = arith.cmpi ne, %convert_element_type3A_10, %cond3A : i32
    scf.if %cond3A_11 {
      %swap3A_16 = arith.constant 0 : index
      %swap3A_17 = arith.constant 0 : index
      %swap3A_18 = vector.load %arg2[%swap3A_16, %swap3A_17] : memref<2x128xf32, #tpu.memory_space<vmem>>, vector<2x128xf32>
      tpu.vector_store %arg2[%swap3A_16, %swap3A_17], %stack3A_8 {strides = array<i32>} : memref<2x128xf32, #tpu.memory_space<vmem>>, vector<2x128xf32>,
    } else {
    }
    %ne3A = arith.constant 0 : i32
    %ne3A_12 = arith.cmpi ne, %arg0, %ne3A : i32
    %convert_element_type3A_13 = arith.extui %ne3A_12 : i1 to i32
    %cond3A_14 = arith.constant 0 : i32
    %cond3A_15 = arith.cmpi ne, %convert_element_type3A_13, %cond3A_14 : i32
    scf.if %cond3A_15 {
      %get3A_16 = arith.constant 0 : index
      %get3A_17 = arith.constant 0 : index
      %get3A_18 = vector.load %arg2[%get3A_16, %get3A_17] : memref<2x128xf32, #tpu.memory_space<vmem>>, vector<2x128xf32>
      %add3A = arith.addf %get3A_18, %stack3A_8 : vector<2x128xf32>
      %swap3A_19 = arith.constant 0 : index
      %swap3A_20 = arith.constant 0 : index
      %swap3A_21 = vector.load %arg2[%swap3A_19, %swap3A_20] : memref<2x128xf32, #tpu.memory_space<vmem>>, vector<2x128xf32>
      tpu.vector_store %arg2[%swap3A_19, %swap3A_20], %add3A {strides = array<i32>} : memref<2x128xf32, #tpu.memory_space<vmem>>, vector<2x128xf32>,
    } else {
    }
    return
  }
  func.func @transform_0(%arg0: i32) -> (i32, i32) {
    %c0_i32 = arith.constant 0 : i32
    %c0_i32_0 = arith.constant 0 : i32
    return %arg0, %c0_i32 : i32, i32
  }
  func.func @transform_1(%arg0: i32) -> (i32, i32) {
    %c0_i32 = arith.constant 0 : i32
    %c0_i32_0 = arith.constant 0 : i32
    %c0_i32_1 = arith.constant 0 : i32
    return %c0_i32, %c0_i32_0 : i32, i32
  }
  func.func @transform_2(%arg0: i32) -> (i32, i32) {
    %c0_i32 = arith.constant 0 : i32
    %c0_i32_0 = arith.constant 0 : i32
    return %arg0, %c0_i32 : i32, i32
  }
}

module attributes {stable_mosaic.version = 14 : i64} {
  func.func @_rnn_body(%arg0: i32, %arg1: memref<24000x128xbf16, #tpu.memory_space<vmem>>, %arg2: memref<2x128xf32, #tpu.memory_space<vmem>>, %arg3: memref<2x128xf32, #tpu.memory_space<vmem>>, %arg4: memref<128x64xf32, #tpu.memory_space<vmem>>, %arg5: memref<64x64xbf16, #tpu.memory_space<vmem>>, %arg6: memref<1x64xf32, #tpu.memory_space<vmem>>, %arg7: memref<64x64xbf16, #tpu.memory_space<vmem>>, %arg8: memref<1x64xf32, #tpu.memory_space<vmem>>, %arg9: memref<24000x64xf32, #tpu.memory_space<vmem>>, %arg10: memref<24000x64xbf16, #tpu.memory_space<vmem>>, %arg11: memref<128x64xbf16, #tpu.memory_space<vmem>>, %arg12: memref<1x64xf32, #tpu.memory_space<vmem>>) attributes {dimension_semantics = [#tpu.dimension_semantics<arbitrary>], iteration_bounds = array<i64: 16>, scalar_prefetch = 0 : i64, scratch_operands = 3 : i64, tpu.core_type = #tpu.core_type<tc>, window_params = [{transform_indices = @transform_0, window_bounds = array<i64: 24000, 128>}, {pipeline_mode = #tpu.pipeline_mode<synchronous>, transform_indices = @transform_1, window_bounds = array<i64: 2, 128>}, {pipeline_mode = #tpu.pipeline_mode<synchronous>, transform_indices = @transform_2, window_bounds = array<i64: 2, 128>}, {pipeline_mode = #tpu.pipeline_mode<synchronous>, transform_indices = @transform_3, window_bounds = array<i64: 128, 64>}, {pipeline_mode = #tpu.pipeline_mode<synchronous>, transform_indices = @transform_4, window_bounds = array<i64: 64, 64>}, {pipeline_mode = #tpu.pipeline_mode<synchronous>, transform_indices = @transform_5, window_bounds = array<i64: 1, 64>}, {pipeline_mode = #tpu.pipeline_mode<synchronous>, transform_indices = @transform_6, window_bounds = array<i64: 64, 64>}, {pipeline_mode = #tpu.pipeline_mode<synchronous>, transform_indices = @transform_7, window_bounds = array<i64: 1, 64>}, {transform_indices = @transform_8, window_bounds = array<i64: 24000, 64>}]} {
    %eq3A = arith.constant 0 : i32
    %eq3A_0 = arith.cmpi eq, %arg0, %eq3A : i32
    %convert_element_type3A = arith.extui %eq3A_0 : i1 to i32
    %cond3A = arith.constant 0 : i32
    %cond3A_1 = arith.cmpi ne, %convert_element_type3A, %cond3A : i32
    scf.if %cond3A_1 {
      %get3A_301 = arith.constant 0 : index
      %get3A_302 = arith.constant 0 : index
      %get3A_303 = vector.load %arg2[%get3A_301, %get3A_302] : memref<2x128xf32, #tpu.memory_space<vmem>>, vector<1x128xf32>
      %mul3A = arith.constant 2.60416664E-6 : f32
      %mul3A_304 = vector.broadcast %mul3A : f32 to vector<1x128xf32>
      %mul3A_305 = arith.mulf %get3A_303, %mul3A_304 : vector<1x128xf32>
      %get3A_306 = arith.constant 1 : index
      %get3A_307 = arith.constant 0 : index
      %get3A_308 = vector.load %arg2[%get3A_306, %get3A_307] : memref<2x128xf32, #tpu.memory_space<vmem>>, vector<1x128xf32>
      %mul3A_309 = arith.constant 2.60416664E-6 : f32
      %mul3A_310 = vector.broadcast %mul3A_309 : f32 to vector<1x128xf32>
      %mul3A_311 = arith.mulf %get3A_308, %mul3A_310 : vector<1x128xf32>
      %mul3A_312 = arith.mulf %mul3A_305, %mul3A_305 : vector<1x128xf32>
      %sub3A = arith.subf %mul3A_311, %mul3A_312 : vector<1x128xf32>
      %get3A_313 = arith.constant 0 : index
      %get3A_314 = arith.constant 0 : index
      %get3A_315 = vector.load %arg3[%get3A_313, %get3A_314] : memref<2x128xf32, #tpu.memory_space<vmem>>, vector<1x128xf32>
      %add3A_316 = arith.constant 9.99999974E-6 : f32
      %add3A_317 = vector.broadcast %add3A_316 : f32 to vector<1x128xf32>
      %add3A_318 = arith.addf %sub3A, %add3A_317 : vector<1x128xf32>
      %rsqrt3A = math.rsqrt %add3A_318 : vector<1x128xf32>
      %mul3A_319 = arith.mulf %get3A_315, %rsqrt3A : vector<1x128xf32>
      %get3A_320 = arith.constant 1 : index
      %get3A_321 = arith.constant 0 : index
      %get3A_322 = vector.load %arg3[%get3A_320, %get3A_321] : memref<2x128xf32, #tpu.memory_space<vmem>>, vector<1x128xf32>
      %mul3A_323 = arith.mulf %mul3A_305, %mul3A_319 : vector<1x128xf32>
      %sub3A_324 = arith.subf %get3A_322, %mul3A_323 : vector<1x128xf32>
      %get3A_325 = arith.constant 0 : index
      %get3A_326 = arith.constant 0 : index
      %get3A_327 = vector.load %arg4[%get3A_325, %get3A_326] : memref<128x64xf32, #tpu.memory_space<vmem>>, vector<128x64xf32>
      %transpose3A = tpu.transpose %mul3A_319, [1, 0] : vector<1x128xf32> -> vector<128x1xf32>
      %mul3A_328 = vector.broadcast %transpose3A : vector<128x1xf32> to vector<128x64xf32>
      %mul3A_329 = arith.mulf %get3A_327, %mul3A_328 : vector<128x64xf32>
      %convert_element_type3A_330 = arith.truncf %mul3A_329 : vector<128x64xf32> to vector<128x64xbf16>
      %swap3A_331 = arith.constant 0 : index
      %swap3A_332 = arith.constant 0 : index
      %swap3A_333 = vector.load %arg11[%swap3A_331, %swap3A_332] : memref<128x64xbf16, #tpu.memory_space<vmem>>, vector<128x64xbf16>
      tpu.vector_store %arg11[%swap3A_331, %swap3A_332], %convert_element_type3A_330 {strides = array<i32>} : memref<128x64xbf16, #tpu.memory_space<vmem>>, vector<128x64xbf16>,
      %get3A_334 = arith.constant 0 : index
      %get3A_335 = arith.constant 0 : index
      %get3A_336 = vector.load %arg6[%get3A_334, %get3A_335] : memref<1x64xf32, #tpu.memory_space<vmem>>, vector<1x64xf32>
      %get3A_337 = arith.constant 0 : index
      %get3A_338 = arith.constant 0 : index
      %get3A_339 = vector.load %arg4[%get3A_337, %get3A_338] : memref<128x64xf32, #tpu.memory_space<vmem>>, vector<128x64xf32>
      %dot_general3A_340 = arith.constant dense<0.000000e+00> : vector<1x64xf32>
      %dot_general3A_341 = tpu.matmul %sub3A_324, %get3A_339, %dot_general3A_340 {dimension_numbers = #tpu.dot_dimension_numbers<[1], [0], [0], [1], [0, 0, 1, 1], [], []>, transpose_lhs_hint = false} : vector<1x128xf32>, vector<128x64xf32>, vector<1x64xf32> -> vector<1x64xf32>
      %add3A_342 = arith.addf %get3A_336, %dot_general3A_341 : vector<1x64xf32>
      %swap3A_343 = arith.constant 0 : index
      %swap3A_344 = arith.constant 0 : index
      %swap3A_345 = vector.load %arg12[%swap3A_343, %swap3A_344] : memref<1x64xf32, #tpu.memory_space<vmem>>, vector<1x64xf32>
      tpu.vector_store %arg12[%swap3A_343, %swap3A_344], %add3A_342 {strides = array<i32>} : memref<1x64xf32, #tpu.memory_space<vmem>>, vector<1x64xf32>,
    } else {
    }
    %get3A = arith.constant 0 : index
    %get3A_2 = arith.constant 0 : index
    %get3A_3 = vector.load %arg12[%get3A, %get3A_2] : memref<1x64xf32, #tpu.memory_space<vmem>>, vector<1x64xf32>
    %get3A_4 = arith.constant 0 : index
    %get3A_5 = arith.constant 0 : index
    %get3A_6 = vector.load %arg1[%get3A_4, %get3A_5] : memref<24000x128xbf16, #tpu.memory_space<vmem>>, vector<24000x128xbf16>
    %get3A_7 = arith.constant 0 : index
    %get3A_8 = arith.constant 0 : index
    %get3A_9 = vector.load %arg11[%get3A_7, %get3A_8] : memref<128x64xbf16, #tpu.memory_space<vmem>>, vector<128x64xbf16>
    %dot_general3A = arith.constant dense<0.000000e+00> : vector<24000x64xf32>
    %dot_general3A_10 = tpu.matmul %get3A_6, %get3A_9, %dot_general3A {dimension_numbers = #tpu.dot_dimension_numbers<[1], [0], [0], [1], [0, 0, 1, 1], [], []>, transpose_lhs_hint = false} : vector<24000x128xbf16>, vector<128x64xbf16>, vector<24000x64xf32> -> vector<24000x64xf32>
    %add3A = vector.broadcast %get3A_3 : vector<1x64xf32> to vector<24000x64xf32>
    %add3A_11 = arith.addf %dot_general3A_10, %add3A : vector<24000x64xf32>
    %slice3A = vector.extract_strided_slice %add3A_11 {offsets = [0, 0], sizes = [1000, 64], strides = [1, 1]} : vector<24000x64xf32> to vector<1000x64xf32>
    %tanh3A = math.tanh %slice3A : vector<1000x64xf32>
    %convert_element_type3A_12 = arith.truncf %tanh3A : vector<1000x64xf32> to vector<1000x64xbf16>
    %swap3A = arith.constant 0 : index
    %swap3A_13 = arith.constant 0 : index
    %swap3A_14 = vector.load %arg10[%swap3A, %swap3A_13] : memref<24000x64xbf16, #tpu.memory_space<vmem>>, vector<1000x64xbf16>
    tpu.vector_store %arg10[%swap3A, %swap3A_13], %convert_element_type3A_12 {strides = array<i32>} : memref<24000x64xbf16, #tpu.memory_space<vmem>>, vector<1000x64xbf16>,
    %slice3A_15 = vector.extract_strided_slice %add3A_11 {offsets = [1000, 0], sizes = [1000, 64], strides = [1, 1]} : vector<24000x64xf32> to vector<1000x64xf32>
    %tanh3A_16 = math.tanh %slice3A_15 : vector<1000x64xf32>
    %convert_element_type3A_17 = arith.truncf %tanh3A_16 : vector<1000x64xf32> to vector<1000x64xbf16>
    %swap3A_18 = arith.constant 1000 : index
    %swap3A_19 = arith.constant 0 : index
    %swap3A_20 = vector.load %arg10[%swap3A_18, %swap3A_19] : memref<24000x64xbf16, #tpu.memory_space<vmem>>, vector<1000x64xbf16>
    tpu.vector_store %arg10[%swap3A_18, %swap3A_19], %convert_element_type3A_17 {strides = array<i32>} : memref<24000x64xbf16, #tpu.memory_space<vmem>>, vector<1000x64xbf16>,
    %slice3A_21 = vector.extract_strided_slice %add3A_11 {offsets = [2000, 0], sizes = [1000, 64], strides = [1, 1]} : vector<24000x64xf32> to vector<1000x64xf32>
    %get3A_22 = arith.constant 0 : index
    %get3A_23 = arith.constant 0 : index
    %get3A_24 = vector.load %arg5[%get3A_22, %get3A_23] : memref<64x64xbf16, #tpu.memory_space<vmem>>, vector<64x64xbf16>
    %dot_general3A_25 = arith.constant dense<0.000000e+00> : vector<1000x64xf32>
    %dot_general3A_26 = tpu.matmul %convert_element_type3A_12, %get3A_24, %dot_general3A_25 {dimension_numbers = #tpu.dot_dimension_numbers<[1], [0], [0], [1], [0, 0, 1, 1], [], []>, transpose_lhs_hint = false} : vector<1000x64xbf16>, vector<64x64xbf16>, vector<1000x64xf32> -> vector<1000x64xf32>
    %add3A_27 = arith.addf %slice3A_21, %dot_general3A_26 : vector<1000x64xf32>
    %tanh3A_28 = math.tanh %add3A_27 : vector<1000x64xf32>
    %convert_element_type3A_29 = arith.truncf %tanh3A_28 : vector<1000x64xf32> to vector<1000x64xbf16>
    %swap3A_30 = arith.constant 2000 : index
    %swap3A_31 = arith.constant 0 : index
    %swap3A_32 = vector.load %arg10[%swap3A_30, %swap3A_31] : memref<24000x64xbf16, #tpu.memory_space<vmem>>, vector<1000x64xbf16>
    tpu.vector_store %arg10[%swap3A_30, %swap3A_31], %convert_element_type3A_29 {strides = array<i32>} : memref<24000x64xbf16, #tpu.memory_space<vmem>>, vector<1000x64xbf16>,
    %slice3A_33 = vector.extract_strided_slice %add3A_11 {offsets = [3000, 0], sizes = [1000, 64], strides = [1, 1]} : vector<24000x64xf32> to vector<1000x64xf32>
    %get3A_34 = arith.constant 0 : index
    %get3A_35 = arith.constant 0 : index
    %get3A_36 = vector.load %arg5[%get3A_34, %get3A_35] : memref<64x64xbf16, #tpu.memory_space<vmem>>, vector<64x64xbf16>
    %dot_general3A_37 = arith.constant dense<0.000000e+00> : vector<1000x64xf32>
    %dot_general3A_38 = tpu.matmul %convert_element_type3A_17, %get3A_36, %dot_general3A_37 {dimension_numbers = #tpu.dot_dimension_numbers<[1], [0], [0], [1], [0, 0, 1, 1], [], []>, transpose_lhs_hint = false} : vector<1000x64xbf16>, vector<64x64xbf16>, vector<1000x64xf32> -> vector<1000x64xf32>
    %add3A_39 = arith.addf %slice3A_33, %dot_general3A_38 : vector<1000x64xf32>
    %tanh3A_40 = math.tanh %add3A_39 : vector<1000x64xf32>
    %convert_element_type3A_41 = arith.truncf %tanh3A_40 : vector<1000x64xf32> to vector<1000x64xbf16>
    %swap3A_42 = arith.constant 3000 : index
    %swap3A_43 = arith.constant 0 : index
    %swap3A_44 = vector.load %arg10[%swap3A_42, %swap3A_43] : memref<24000x64xbf16, #tpu.memory_space<vmem>>, vector<1000x64xbf16>
    tpu.vector_store %arg10[%swap3A_42, %swap3A_43], %convert_element_type3A_41 {strides = array<i32>} : memref<24000x64xbf16, #tpu.memory_space<vmem>>, vector<1000x64xbf16>,
    %slice3A_45 = vector.extract_strided_slice %add3A_11 {offsets = [4000, 0], sizes = [1000, 64], strides = [1, 1]} : vector<24000x64xf32> to vector<1000x64xf32>
    %get3A_46 = arith.constant 0 : index
    %get3A_47 = arith.constant 0 : index
    %get3A_48 = vector.load %arg5[%get3A_46, %get3A_47] : memref<64x64xbf16, #tpu.memory_space<vmem>>, vector<64x64xbf16>
    %dot_general3A_49 = arith.constant dense<0.000000e+00> : vector<1000x64xf32>
    %dot_general3A_50 = tpu.matmul %convert_element_type3A_29, %get3A_48, %dot_general3A_49 {dimension_numbers = #tpu.dot_dimension_numbers<[1], [0], [0], [1], [0, 0, 1, 1], [], []>, transpose_lhs_hint = false} : vector<1000x64xbf16>, vector<64x64xbf16>, vector<1000x64xf32> -> vector<1000x64xf32>
    %add3A_51 = arith.addf %slice3A_45, %dot_general3A_50 : vector<1000x64xf32>
    %tanh3A_52 = math.tanh %add3A_51 : vector<1000x64xf32>
    %convert_element_type3A_53 = arith.truncf %tanh3A_52 : vector<1000x64xf32> to vector<1000x64xbf16>
    %swap3A_54 = arith.constant 4000 : index
    %swap3A_55 = arith.constant 0 : index
    %swap3A_56 = vector.load %arg10[%swap3A_54, %swap3A_55] : memref<24000x64xbf16, #tpu.memory_space<vmem>>, vector<1000x64xbf16>
    tpu.vector_store %arg10[%swap3A_54, %swap3A_55], %convert_element_type3A_53 {strides = array<i32>} : memref<24000x64xbf16, #tpu.memory_space<vmem>>, vector<1000x64xbf16>,
    %slice3A_57 = vector.extract_strided_slice %add3A_11 {offsets = [5000, 0], sizes = [1000, 64], strides = [1, 1]} : vector<24000x64xf32> to vector<1000x64xf32>
    %get3A_58 = arith.constant 0 : index
    %get3A_59 = arith.constant 0 : index
    %get3A_60 = vector.load %arg5[%get3A_58, %get3A_59] : memref<64x64xbf16, #tpu.memory_space<vmem>>, vector<64x64xbf16>
    %dot_general3A_61 = arith.constant dense<0.000000e+00> : vector<1000x64xf32>
    %dot_general3A_62 = tpu.matmul %convert_element_type3A_41, %get3A_60, %dot_general3A_61 {dimension_numbers = #tpu.dot_dimension_numbers<[1], [0], [0], [1], [0, 0, 1, 1], [], []>, transpose_lhs_hint = false} : vector<1000x64xbf16>, vector<64x64xbf16>, vector<1000x64xf32> -> vector<1000x64xf32>
    %add3A_63 = arith.addf %slice3A_57, %dot_general3A_62 : vector<1000x64xf32>
    %tanh3A_64 = math.tanh %add3A_63 : vector<1000x64xf32>
    %convert_element_type3A_65 = arith.truncf %tanh3A_64 : vector<1000x64xf32> to vector<1000x64xbf16>
    %swap3A_66 = arith.constant 5000 : index
    %swap3A_67 = arith.constant 0 : index
    %swap3A_68 = vector.load %arg10[%swap3A_66, %swap3A_67] : memref<24000x64xbf16, #tpu.memory_space<vmem>>, vector<1000x64xbf16>
    tpu.vector_store %arg10[%swap3A_66, %swap3A_67], %convert_element_type3A_65 {strides = array<i32>} : memref<24000x64xbf16, #tpu.memory_space<vmem>>, vector<1000x64xbf16>,
    %slice3A_69 = vector.extract_strided_slice %add3A_11 {offsets = [6000, 0], sizes = [1000, 64], strides = [1, 1]} : vector<24000x64xf32> to vector<1000x64xf32>
    %get3A_70 = arith.constant 0 : index
    %get3A_71 = arith.constant 0 : index
    %get3A_72 = vector.load %arg5[%get3A_70, %get3A_71] : memref<64x64xbf16, #tpu.memory_space<vmem>>, vector<64x64xbf16>
    %dot_general3A_73 = arith.constant dense<0.000000e+00> : vector<1000x64xf32>
    %dot_general3A_74 = tpu.matmul %convert_element_type3A_53, %get3A_72, %dot_general3A_73 {dimension_numbers = #tpu.dot_dimension_numbers<[1], [0], [0], [1], [0, 0, 1, 1], [], []>, transpose_lhs_hint = false} : vector<1000x64xbf16>, vector<64x64xbf16>, vector<1000x64xf32> -> vector<1000x64xf32>
    %add3A_75 = arith.addf %slice3A_69, %dot_general3A_74 : vector<1000x64xf32>
    %tanh3A_76 = math.tanh %add3A_75 : vector<1000x64xf32>
    %convert_element_type3A_77 = arith.truncf %tanh3A_76 : vector<1000x64xf32> to vector<1000x64xbf16>
    %swap3A_78 = arith.constant 6000 : index
    %swap3A_79 = arith.constant 0 : index
    %swap3A_80 = vector.load %arg10[%swap3A_78, %swap3A_79] : memref<24000x64xbf16, #tpu.memory_space<vmem>>, vector<1000x64xbf16>
    tpu.vector_store %arg10[%swap3A_78, %swap3A_79], %convert_element_type3A_77 {strides = array<i32>} : memref<24000x64xbf16, #tpu.memory_space<vmem>>, vector<1000x64xbf16>,
    %slice3A_81 = vector.extract_strided_slice %add3A_11 {offsets = [7000, 0], sizes = [1000, 64], strides = [1, 1]} : vector<24000x64xf32> to vector<1000x64xf32>
    %get3A_82 = arith.constant 0 : index
    %get3A_83 = arith.constant 0 : index
    %get3A_84 = vector.load %arg5[%get3A_82, %get3A_83] : memref<64x64xbf16, #tpu.memory_space<vmem>>, vector<64x64xbf16>
    %dot_general3A_85 = arith.constant dense<0.000000e+00> : vector<1000x64xf32>
    %dot_general3A_86 = tpu.matmul %convert_element_type3A_65, %get3A_84, %dot_general3A_85 {dimension_numbers = #tpu.dot_dimension_numbers<[1], [0], [0], [1], [0, 0, 1, 1], [], []>, transpose_lhs_hint = false} : vector<1000x64xbf16>, vector<64x64xbf16>, vector<1000x64xf32> -> vector<1000x64xf32>
    %add3A_87 = arith.addf %slice3A_81, %dot_general3A_86 : vector<1000x64xf32>
    %tanh3A_88 = math.tanh %add3A_87 : vector<1000x64xf32>
    %convert_element_type3A_89 = arith.truncf %tanh3A_88 : vector<1000x64xf32> to vector<1000x64xbf16>
    %swap3A_90 = arith.constant 7000 : index
    %swap3A_91 = arith.constant 0 : index
    %swap3A_92 = vector.load %arg10[%swap3A_90, %swap3A_91] : memref<24000x64xbf16, #tpu.memory_space<vmem>>, vector<1000x64xbf16>
    tpu.vector_store %arg10[%swap3A_90, %swap3A_91], %convert_element_type3A_89 {strides = array<i32>} : memref<24000x64xbf16, #tpu.memory_space<vmem>>, vector<1000x64xbf16>,
    %slice3A_93 = vector.extract_strided_slice %add3A_11 {offsets = [8000, 0], sizes = [1000, 64], strides = [1, 1]} : vector<24000x64xf32> to vector<1000x64xf32>
    %get3A_94 = arith.constant 0 : index
    %get3A_95 = arith.constant 0 : index
    %get3A_96 = vector.load %arg5[%get3A_94, %get3A_95] : memref<64x64xbf16, #tpu.memory_space<vmem>>, vector<64x64xbf16>
    %dot_general3A_97 = arith.constant dense<0.000000e+00> : vector<1000x64xf32>
    %dot_general3A_98 = tpu.matmul %convert_element_type3A_77, %get3A_96, %dot_general3A_97 {dimension_numbers = #tpu.dot_dimension_numbers<[1], [0], [0], [1], [0, 0, 1, 1], [], []>, transpose_lhs_hint = false} : vector<1000x64xbf16>, vector<64x64xbf16>, vector<1000x64xf32> -> vector<1000x64xf32>
    %add3A_99 = arith.addf %slice3A_93, %dot_general3A_98 : vector<1000x64xf32>
    %tanh3A_100 = math.tanh %add3A_99 : vector<1000x64xf32>
    %convert_element_type3A_101 = arith.truncf %tanh3A_100 : vector<1000x64xf32> to vector<1000x64xbf16>
    %swap3A_102 = arith.constant 8000 : index
    %swap3A_103 = arith.constant 0 : index
    %swap3A_104 = vector.load %arg10[%swap3A_102, %swap3A_103] : memref<24000x64xbf16, #tpu.memory_space<vmem>>, vector<1000x64xbf16>
    tpu.vector_store %arg10[%swap3A_102, %swap3A_103], %convert_element_type3A_101 {strides = array<i32>} : memref<24000x64xbf16, #tpu.memory_space<vmem>>, vector<1000x64xbf16>,
    %slice3A_105 = vector.extract_strided_slice %add3A_11 {offsets = [9000, 0], sizes = [1000, 64], strides = [1, 1]} : vector<24000x64xf32> to vector<1000x64xf32>
    %get3A_106 = arith.constant 0 : index
    %get3A_107 = arith.constant 0 : index
    %get3A_108 = vector.load %arg5[%get3A_106, %get3A_107] : memref<64x64xbf16, #tpu.memory_space<vmem>>, vector<64x64xbf16>
    %dot_general3A_109 = arith.constant dense<0.000000e+00> : vector<1000x64xf32>
    %dot_general3A_110 = tpu.matmul %convert_element_type3A_89, %get3A_108, %dot_general3A_109 {dimension_numbers = #tpu.dot_dimension_numbers<[1], [0], [0], [1], [0, 0, 1, 1], [], []>, transpose_lhs_hint = false} : vector<1000x64xbf16>, vector<64x64xbf16>, vector<1000x64xf32> -> vector<1000x64xf32>
    %add3A_111 = arith.addf %slice3A_105, %dot_general3A_110 : vector<1000x64xf32>
    %tanh3A_112 = math.tanh %add3A_111 : vector<1000x64xf32>
    %convert_element_type3A_113 = arith.truncf %tanh3A_112 : vector<1000x64xf32> to vector<1000x64xbf16>
    %swap3A_114 = arith.constant 9000 : index
    %swap3A_115 = arith.constant 0 : index
    %swap3A_116 = vector.load %arg10[%swap3A_114, %swap3A_115] : memref<24000x64xbf16, #tpu.memory_space<vmem>>, vector<1000x64xbf16>
    tpu.vector_store %arg10[%swap3A_114, %swap3A_115], %convert_element_type3A_113 {strides = array<i32>} : memref<24000x64xbf16, #tpu.memory_space<vmem>>, vector<1000x64xbf16>,
    %slice3A_117 = vector.extract_strided_slice %add3A_11 {offsets = [10000, 0], sizes = [1000, 64], strides = [1, 1]} : vector<24000x64xf32> to vector<1000x64xf32>
    %get3A_118 = arith.constant 0 : index
    %get3A_119 = arith.constant 0 : index
    %get3A_120 = vector.load %arg5[%get3A_118, %get3A_119] : memref<64x64xbf16, #tpu.memory_space<vmem>>, vector<64x64xbf16>
    %dot_general3A_121 = arith.constant dense<0.000000e+00> : vector<1000x64xf32>
    %dot_general3A_122 = tpu.matmul %convert_element_type3A_101, %get3A_120, %dot_general3A_121 {dimension_numbers = #tpu.dot_dimension_numbers<[1], [0], [0], [1], [0, 0, 1, 1], [], []>, transpose_lhs_hint = false} : vector<1000x64xbf16>, vector<64x64xbf16>, vector<1000x64xf32> -> vector<1000x64xf32>
    %add3A_123 = arith.addf %slice3A_117, %dot_general3A_122 : vector<1000x64xf32>
    %tanh3A_124 = math.tanh %add3A_123 : vector<1000x64xf32>
    %convert_element_type3A_125 = arith.truncf %tanh3A_124 : vector<1000x64xf32> to vector<1000x64xbf16>
    %swap3A_126 = arith.constant 10000 : index
    %swap3A_127 = arith.constant 0 : index
    %swap3A_128 = vector.load %arg10[%swap3A_126, %swap3A_127] : memref<24000x64xbf16, #tpu.memory_space<vmem>>, vector<1000x64xbf16>
    tpu.vector_store %arg10[%swap3A_126, %swap3A_127], %convert_element_type3A_125 {strides = array<i32>} : memref<24000x64xbf16, #tpu.memory_space<vmem>>, vector<1000x64xbf16>,
    %slice3A_129 = vector.extract_strided_slice %add3A_11 {offsets = [11000, 0], sizes = [1000, 64], strides = [1, 1]} : vector<24000x64xf32> to vector<1000x64xf32>
    %get3A_130 = arith.constant 0 : index
    %get3A_131 = arith.constant 0 : index
    %get3A_132 = vector.load %arg5[%get3A_130, %get3A_131] : memref<64x64xbf16, #tpu.memory_space<vmem>>, vector<64x64xbf16>
    %dot_general3A_133 = arith.constant dense<0.000000e+00> : vector<1000x64xf32>
    %dot_general3A_134 = tpu.matmul %convert_element_type3A_113, %get3A_132, %dot_general3A_133 {dimension_numbers = #tpu.dot_dimension_numbers<[1], [0], [0], [1], [0, 0, 1, 1], [], []>, transpose_lhs_hint = false} : vector<1000x64xbf16>, vector<64x64xbf16>, vector<1000x64xf32> -> vector<1000x64xf32>
    %add3A_135 = arith.addf %slice3A_129, %dot_general3A_134 : vector<1000x64xf32>
    %tanh3A_136 = math.tanh %add3A_135 : vector<1000x64xf32>
    %convert_element_type3A_137 = arith.truncf %tanh3A_136 : vector<1000x64xf32> to vector<1000x64xbf16>
    %swap3A_138 = arith.constant 11000 : index
    %swap3A_139 = arith.constant 0 : index
    %swap3A_140 = vector.load %arg10[%swap3A_138, %swap3A_139] : memref<24000x64xbf16, #tpu.memory_space<vmem>>, vector<1000x64xbf16>
    tpu.vector_store %arg10[%swap3A_138, %swap3A_139], %convert_element_type3A_137 {strides = array<i32>} : memref<24000x64xbf16, #tpu.memory_space<vmem>>, vector<1000x64xbf16>,
    %slice3A_141 = vector.extract_strided_slice %add3A_11 {offsets = [12000, 0], sizes = [1000, 64], strides = [1, 1]} : vector<24000x64xf32> to vector<1000x64xf32>
    %get3A_142 = arith.constant 0 : index
    %get3A_143 = arith.constant 0 : index
    %get3A_144 = vector.load %arg5[%get3A_142, %get3A_143] : memref<64x64xbf16, #tpu.memory_space<vmem>>, vector<64x64xbf16>
    %dot_general3A_145 = arith.constant dense<0.000000e+00> : vector<1000x64xf32>
    %dot_general3A_146 = tpu.matmul %convert_element_type3A_125, %get3A_144, %dot_general3A_145 {dimension_numbers = #tpu.dot_dimension_numbers<[1], [0], [0], [1], [0, 0, 1, 1], [], []>, transpose_lhs_hint = false} : vector<1000x64xbf16>, vector<64x64xbf16>, vector<1000x64xf32> -> vector<1000x64xf32>
    %add3A_147 = arith.addf %slice3A_141, %dot_general3A_146 : vector<1000x64xf32>
    %tanh3A_148 = math.tanh %add3A_147 : vector<1000x64xf32>
    %convert_element_type3A_149 = arith.truncf %tanh3A_148 : vector<1000x64xf32> to vector<1000x64xbf16>
    %swap3A_150 = arith.constant 12000 : index
    %swap3A_151 = arith.constant 0 : index
    %swap3A_152 = vector.load %arg10[%swap3A_150, %swap3A_151] : memref<24000x64xbf16, #tpu.memory_space<vmem>>, vector<1000x64xbf16>
    tpu.vector_store %arg10[%swap3A_150, %swap3A_151], %convert_element_type3A_149 {strides = array<i32>} : memref<24000x64xbf16, #tpu.memory_space<vmem>>, vector<1000x64xbf16>,
    %slice3A_153 = vector.extract_strided_slice %add3A_11 {offsets = [13000, 0], sizes = [1000, 64], strides = [1, 1]} : vector<24000x64xf32> to vector<1000x64xf32>
    %get3A_154 = arith.constant 0 : index
    %get3A_155 = arith.constant 0 : index
    %get3A_156 = vector.load %arg5[%get3A_154, %get3A_155] : memref<64x64xbf16, #tpu.memory_space<vmem>>, vector<64x64xbf16>
    %dot_general3A_157 = arith.constant dense<0.000000e+00> : vector<1000x64xf32>
    %dot_general3A_158 = tpu.matmul %convert_element_type3A_137, %get3A_156, %dot_general3A_157 {dimension_numbers = #tpu.dot_dimension_numbers<[1], [0], [0], [1], [0, 0, 1, 1], [], []>, transpose_lhs_hint = false} : vector<1000x64xbf16>, vector<64x64xbf16>, vector<1000x64xf32> -> vector<1000x64xf32>
    %add3A_159 = arith.addf %slice3A_153, %dot_general3A_158 : vector<1000x64xf32>
    %tanh3A_160 = math.tanh %add3A_159 : vector<1000x64xf32>
    %convert_element_type3A_161 = arith.truncf %tanh3A_160 : vector<1000x64xf32> to vector<1000x64xbf16>
    %swap3A_162 = arith.constant 13000 : index
    %swap3A_163 = arith.constant 0 : index
    %swap3A_164 = vector.load %arg10[%swap3A_162, %swap3A_163] : memref<24000x64xbf16, #tpu.memory_space<vmem>>, vector<1000x64xbf16>
    tpu.vector_store %arg10[%swap3A_162, %swap3A_163], %convert_element_type3A_161 {strides = array<i32>} : memref<24000x64xbf16, #tpu.memory_space<vmem>>, vector<1000x64xbf16>,
    %slice3A_165 = vector.extract_strided_slice %add3A_11 {offsets = [14000, 0], sizes = [1000, 64], strides = [1, 1]} : vector<24000x64xf32> to vector<1000x64xf32>
    %get3A_166 = arith.constant 0 : index
    %get3A_167 = arith.constant 0 : index
    %get3A_168 = vector.load %arg5[%get3A_166, %get3A_167] : memref<64x64xbf16, #tpu.memory_space<vmem>>, vector<64x64xbf16>
    %dot_general3A_169 = arith.constant dense<0.000000e+00> : vector<1000x64xf32>
    %dot_general3A_170 = tpu.matmul %convert_element_type3A_149, %get3A_168, %dot_general3A_169 {dimension_numbers = #tpu.dot_dimension_numbers<[1], [0], [0], [1], [0, 0, 1, 1], [], []>, transpose_lhs_hint = false} : vector<1000x64xbf16>, vector<64x64xbf16>, vector<1000x64xf32> -> vector<1000x64xf32>
    %add3A_171 = arith.addf %slice3A_165, %dot_general3A_170 : vector<1000x64xf32>
    %tanh3A_172 = math.tanh %add3A_171 : vector<1000x64xf32>
    %convert_element_type3A_173 = arith.truncf %tanh3A_172 : vector<1000x64xf32> to vector<1000x64xbf16>
    %swap3A_174 = arith.constant 14000 : index
    %swap3A_175 = arith.constant 0 : index
    %swap3A_176 = vector.load %arg10[%swap3A_174, %swap3A_175] : memref<24000x64xbf16, #tpu.memory_space<vmem>>, vector<1000x64xbf16>
    tpu.vector_store %arg10[%swap3A_174, %swap3A_175], %convert_element_type3A_173 {strides = array<i32>} : memref<24000x64xbf16, #tpu.memory_space<vmem>>, vector<1000x64xbf16>,
    %slice3A_177 = vector.extract_strided_slice %add3A_11 {offsets = [15000, 0], sizes = [1000, 64], strides = [1, 1]} : vector<24000x64xf32> to vector<1000x64xf32>
    %get3A_178 = arith.constant 0 : index
    %get3A_179 = arith.constant 0 : index
    %get3A_180 = vector.load %arg5[%get3A_178, %get3A_179] : memref<64x64xbf16, #tpu.memory_space<vmem>>, vector<64x64xbf16>
    %dot_general3A_181 = arith.constant dense<0.000000e+00> : vector<1000x64xf32>
    %dot_general3A_182 = tpu.matmul %convert_element_type3A_161, %get3A_180, %dot_general3A_181 {dimension_numbers = #tpu.dot_dimension_numbers<[1], [0], [0], [1], [0, 0, 1, 1], [], []>, transpose_lhs_hint = false} : vector<1000x64xbf16>, vector<64x64xbf16>, vector<1000x64xf32> -> vector<1000x64xf32>
    %add3A_183 = arith.addf %slice3A_177, %dot_general3A_182 : vector<1000x64xf32>
    %tanh3A_184 = math.tanh %add3A_183 : vector<1000x64xf32>
    %convert_element_type3A_185 = arith.truncf %tanh3A_184 : vector<1000x64xf32> to vector<1000x64xbf16>
    %swap3A_186 = arith.constant 15000 : index
    %swap3A_187 = arith.constant 0 : index
    %swap3A_188 = vector.load %arg10[%swap3A_186, %swap3A_187] : memref<24000x64xbf16, #tpu.memory_space<vmem>>, vector<1000x64xbf16>
    tpu.vector_store %arg10[%swap3A_186, %swap3A_187], %convert_element_type3A_185 {strides = array<i32>} : memref<24000x64xbf16, #tpu.memory_space<vmem>>, vector<1000x64xbf16>,
    %slice3A_189 = vector.extract_strided_slice %add3A_11 {offsets = [16000, 0], sizes = [1000, 64], strides = [1, 1]} : vector<24000x64xf32> to vector<1000x64xf32>
    %get3A_190 = arith.constant 0 : index
    %get3A_191 = arith.constant 0 : index
    %get3A_192 = vector.load %arg5[%get3A_190, %get3A_191] : memref<64x64xbf16, #tpu.memory_space<vmem>>, vector<64x64xbf16>
    %dot_general3A_193 = arith.constant dense<0.000000e+00> : vector<1000x64xf32>
    %dot_general3A_194 = tpu.matmul %convert_element_type3A_173, %get3A_192, %dot_general3A_193 {dimension_numbers = #tpu.dot_dimension_numbers<[1], [0], [0], [1], [0, 0, 1, 1], [], []>, transpose_lhs_hint = false} : vector<1000x64xbf16>, vector<64x64xbf16>, vector<1000x64xf32> -> vector<1000x64xf32>
    %add3A_195 = arith.addf %slice3A_189, %dot_general3A_194 : vector<1000x64xf32>
    %tanh3A_196 = math.tanh %add3A_195 : vector<1000x64xf32>
    %convert_element_type3A_197 = arith.truncf %tanh3A_196 : vector<1000x64xf32> to vector<1000x64xbf16>
    %swap3A_198 = arith.constant 16000 : index
    %swap3A_199 = arith.constant 0 : index
    %swap3A_200 = vector.load %arg10[%swap3A_198, %swap3A_199] : memref<24000x64xbf16, #tpu.memory_space<vmem>>, vector<1000x64xbf16>
    tpu.vector_store %arg10[%swap3A_198, %swap3A_199], %convert_element_type3A_197 {strides = array<i32>} : memref<24000x64xbf16, #tpu.memory_space<vmem>>, vector<1000x64xbf16>,
    %slice3A_201 = vector.extract_strided_slice %add3A_11 {offsets = [17000, 0], sizes = [1000, 64], strides = [1, 1]} : vector<24000x64xf32> to vector<1000x64xf32>
    %get3A_202 = arith.constant 0 : index
    %get3A_203 = arith.constant 0 : index
    %get3A_204 = vector.load %arg5[%get3A_202, %get3A_203] : memref<64x64xbf16, #tpu.memory_space<vmem>>, vector<64x64xbf16>
    %dot_general3A_205 = arith.constant dense<0.000000e+00> : vector<1000x64xf32>
    %dot_general3A_206 = tpu.matmul %convert_element_type3A_185, %get3A_204, %dot_general3A_205 {dimension_numbers = #tpu.dot_dimension_numbers<[1], [0], [0], [1], [0, 0, 1, 1], [], []>, transpose_lhs_hint = false} : vector<1000x64xbf16>, vector<64x64xbf16>, vector<1000x64xf32> -> vector<1000x64xf32>
    %add3A_207 = arith.addf %slice3A_201, %dot_general3A_206 : vector<1000x64xf32>
    %tanh3A_208 = math.tanh %add3A_207 : vector<1000x64xf32>
    %convert_element_type3A_209 = arith.truncf %tanh3A_208 : vector<1000x64xf32> to vector<1000x64xbf16>
    %swap3A_210 = arith.constant 17000 : index
    %swap3A_211 = arith.constant 0 : index
    %swap3A_212 = vector.load %arg10[%swap3A_210, %swap3A_211] : memref<24000x64xbf16, #tpu.memory_space<vmem>>, vector<1000x64xbf16>
    tpu.vector_store %arg10[%swap3A_210, %swap3A_211], %convert_element_type3A_209 {strides = array<i32>} : memref<24000x64xbf16, #tpu.memory_space<vmem>>, vector<1000x64xbf16>,
    %slice3A_213 = vector.extract_strided_slice %add3A_11 {offsets = [18000, 0], sizes = [1000, 64], strides = [1, 1]} : vector<24000x64xf32> to vector<1000x64xf32>
    %get3A_214 = arith.constant 0 : index
    %get3A_215 = arith.constant 0 : index
    %get3A_216 = vector.load %arg5[%get3A_214, %get3A_215] : memref<64x64xbf16, #tpu.memory_space<vmem>>, vector<64x64xbf16>
    %dot_general3A_217 = arith.constant dense<0.000000e+00> : vector<1000x64xf32>
    %dot_general3A_218 = tpu.matmul %convert_element_type3A_197, %get3A_216, %dot_general3A_217 {dimension_numbers = #tpu.dot_dimension_numbers<[1], [0], [0], [1], [0, 0, 1, 1], [], []>, transpose_lhs_hint = false} : vector<1000x64xbf16>, vector<64x64xbf16>, vector<1000x64xf32> -> vector<1000x64xf32>
    %add3A_219 = arith.addf %slice3A_213, %dot_general3A_218 : vector<1000x64xf32>
    %tanh3A_220 = math.tanh %add3A_219 : vector<1000x64xf32>
    %convert_element_type3A_221 = arith.truncf %tanh3A_220 : vector<1000x64xf32> to vector<1000x64xbf16>
    %swap3A_222 = arith.constant 18000 : index
    %swap3A_223 = arith.constant 0 : index
    %swap3A_224 = vector.load %arg10[%swap3A_222, %swap3A_223] : memref<24000x64xbf16, #tpu.memory_space<vmem>>, vector<1000x64xbf16>
    tpu.vector_store %arg10[%swap3A_222, %swap3A_223], %convert_element_type3A_221 {strides = array<i32>} : memref<24000x64xbf16, #tpu.memory_space<vmem>>, vector<1000x64xbf16>,
    %slice3A_225 = vector.extract_strided_slice %add3A_11 {offsets = [19000, 0], sizes = [1000, 64], strides = [1, 1]} : vector<24000x64xf32> to vector<1000x64xf32>
    %get3A_226 = arith.constant 0 : index
    %get3A_227 = arith.constant 0 : index
    %get3A_228 = vector.load %arg5[%get3A_226, %get3A_227] : memref<64x64xbf16, #tpu.memory_space<vmem>>, vector<64x64xbf16>
    %dot_general3A_229 = arith.constant dense<0.000000e+00> : vector<1000x64xf32>
    %dot_general3A_230 = tpu.matmul %convert_element_type3A_209, %get3A_228, %dot_general3A_229 {dimension_numbers = #tpu.dot_dimension_numbers<[1], [0], [0], [1], [0, 0, 1, 1], [], []>, transpose_lhs_hint = false} : vector<1000x64xbf16>, vector<64x64xbf16>, vector<1000x64xf32> -> vector<1000x64xf32>
    %add3A_231 = arith.addf %slice3A_225, %dot_general3A_230 : vector<1000x64xf32>
    %tanh3A_232 = math.tanh %add3A_231 : vector<1000x64xf32>
    %convert_element_type3A_233 = arith.truncf %tanh3A_232 : vector<1000x64xf32> to vector<1000x64xbf16>
    %swap3A_234 = arith.constant 19000 : index
    %swap3A_235 = arith.constant 0 : index
    %swap3A_236 = vector.load %arg10[%swap3A_234, %swap3A_235] : memref<24000x64xbf16, #tpu.memory_space<vmem>>, vector<1000x64xbf16>
    tpu.vector_store %arg10[%swap3A_234, %swap3A_235], %convert_element_type3A_233 {strides = array<i32>} : memref<24000x64xbf16, #tpu.memory_space<vmem>>, vector<1000x64xbf16>,
    %slice3A_237 = vector.extract_strided_slice %add3A_11 {offsets = [20000, 0], sizes = [1000, 64], strides = [1, 1]} : vector<24000x64xf32> to vector<1000x64xf32>
    %get3A_238 = arith.constant 0 : index
    %get3A_239 = arith.constant 0 : index
    %get3A_240 = vector.load %arg5[%get3A_238, %get3A_239] : memref<64x64xbf16, #tpu.memory_space<vmem>>, vector<64x64xbf16>
    %dot_general3A_241 = arith.constant dense<0.000000e+00> : vector<1000x64xf32>
    %dot_general3A_242 = tpu.matmul %convert_element_type3A_221, %get3A_240, %dot_general3A_241 {dimension_numbers = #tpu.dot_dimension_numbers<[1], [0], [0], [1], [0, 0, 1, 1], [], []>, transpose_lhs_hint = false} : vector<1000x64xbf16>, vector<64x64xbf16>, vector<1000x64xf32> -> vector<1000x64xf32>
    %add3A_243 = arith.addf %slice3A_237, %dot_general3A_242 : vector<1000x64xf32>
    %tanh3A_244 = math.tanh %add3A_243 : vector<1000x64xf32>
    %convert_element_type3A_245 = arith.truncf %tanh3A_244 : vector<1000x64xf32> to vector<1000x64xbf16>
    %swap3A_246 = arith.constant 20000 : index
    %swap3A_247 = arith.constant 0 : index
    %swap3A_248 = vector.load %arg10[%swap3A_246, %swap3A_247] : memref<24000x64xbf16, #tpu.memory_space<vmem>>, vector<1000x64xbf16>
    tpu.vector_store %arg10[%swap3A_246, %swap3A_247], %convert_element_type3A_245 {strides = array<i32>} : memref<24000x64xbf16, #tpu.memory_space<vmem>>, vector<1000x64xbf16>,
    %slice3A_249 = vector.extract_strided_slice %add3A_11 {offsets = [21000, 0], sizes = [1000, 64], strides = [1, 1]} : vector<24000x64xf32> to vector<1000x64xf32>
    %get3A_250 = arith.constant 0 : index
    %get3A_251 = arith.constant 0 : index
    %get3A_252 = vector.load %arg5[%get3A_250, %get3A_251] : memref<64x64xbf16, #tpu.memory_space<vmem>>, vector<64x64xbf16>
    %dot_general3A_253 = arith.constant dense<0.000000e+00> : vector<1000x64xf32>
    %dot_general3A_254 = tpu.matmul %convert_element_type3A_233, %get3A_252, %dot_general3A_253 {dimension_numbers = #tpu.dot_dimension_numbers<[1], [0], [0], [1], [0, 0, 1, 1], [], []>, transpose_lhs_hint = false} : vector<1000x64xbf16>, vector<64x64xbf16>, vector<1000x64xf32> -> vector<1000x64xf32>
    %add3A_255 = arith.addf %slice3A_249, %dot_general3A_254 : vector<1000x64xf32>
    %tanh3A_256 = math.tanh %add3A_255 : vector<1000x64xf32>
    %convert_element_type3A_257 = arith.truncf %tanh3A_256 : vector<1000x64xf32> to vector<1000x64xbf16>
    %swap3A_258 = arith.constant 21000 : index
    %swap3A_259 = arith.constant 0 : index
    %swap3A_260 = vector.load %arg10[%swap3A_258, %swap3A_259] : memref<24000x64xbf16, #tpu.memory_space<vmem>>, vector<1000x64xbf16>
    tpu.vector_store %arg10[%swap3A_258, %swap3A_259], %convert_element_type3A_257 {strides = array<i32>} : memref<24000x64xbf16, #tpu.memory_space<vmem>>, vector<1000x64xbf16>,
    %slice3A_261 = vector.extract_strided_slice %add3A_11 {offsets = [22000, 0], sizes = [1000, 64], strides = [1, 1]} : vector<24000x64xf32> to vector<1000x64xf32>
    %get3A_262 = arith.constant 0 : index
    %get3A_263 = arith.constant 0 : index
    %get3A_264 = vector.load %arg5[%get3A_262, %get3A_263] : memref<64x64xbf16, #tpu.memory_space<vmem>>, vector<64x64xbf16>
    %dot_general3A_265 = arith.constant dense<0.000000e+00> : vector<1000x64xf32>
    %dot_general3A_266 = tpu.matmul %convert_element_type3A_245, %get3A_264, %dot_general3A_265 {dimension_numbers = #tpu.dot_dimension_numbers<[1], [0], [0], [1], [0, 0, 1, 1], [], []>, transpose_lhs_hint = false} : vector<1000x64xbf16>, vector<64x64xbf16>, vector<1000x64xf32> -> vector<1000x64xf32>
    %add3A_267 = arith.addf %slice3A_261, %dot_general3A_266 : vector<1000x64xf32>
    %tanh3A_268 = math.tanh %add3A_267 : vector<1000x64xf32>
    %convert_element_type3A_269 = arith.truncf %tanh3A_268 : vector<1000x64xf32> to vector<1000x64xbf16>
    %swap3A_270 = arith.constant 22000 : index
    %swap3A_271 = arith.constant 0 : index
    %swap3A_272 = vector.load %arg10[%swap3A_270, %swap3A_271] : memref<24000x64xbf16, #tpu.memory_space<vmem>>, vector<1000x64xbf16>
    tpu.vector_store %arg10[%swap3A_270, %swap3A_271], %convert_element_type3A_269 {strides = array<i32>} : memref<24000x64xbf16, #tpu.memory_space<vmem>>, vector<1000x64xbf16>,
    %slice3A_273 = vector.extract_strided_slice %add3A_11 {offsets = [23000, 0], sizes = [1000, 64], strides = [1, 1]} : vector<24000x64xf32> to vector<1000x64xf32>
    %get3A_274 = arith.constant 0 : index
    %get3A_275 = arith.constant 0 : index
    %get3A_276 = vector.load %arg5[%get3A_274, %get3A_275] : memref<64x64xbf16, #tpu.memory_space<vmem>>, vector<64x64xbf16>
    %dot_general3A_277 = arith.constant dense<0.000000e+00> : vector<1000x64xf32>
    %dot_general3A_278 = tpu.matmul %convert_element_type3A_257, %get3A_276, %dot_general3A_277 {dimension_numbers = #tpu.dot_dimension_numbers<[1], [0], [0], [1], [0, 0, 1, 1], [], []>, transpose_lhs_hint = false} : vector<1000x64xbf16>, vector<64x64xbf16>, vector<1000x64xf32> -> vector<1000x64xf32>
    %add3A_279 = arith.addf %slice3A_273, %dot_general3A_278 : vector<1000x64xf32>
    %tanh3A_280 = math.tanh %add3A_279 : vector<1000x64xf32>
    %convert_element_type3A_281 = arith.truncf %tanh3A_280 : vector<1000x64xf32> to vector<1000x64xbf16>
    %swap3A_282 = arith.constant 23000 : index
    %swap3A_283 = arith.constant 0 : index
    %swap3A_284 = vector.load %arg10[%swap3A_282, %swap3A_283] : memref<24000x64xbf16, #tpu.memory_space<vmem>>, vector<1000x64xbf16>
    tpu.vector_store %arg10[%swap3A_282, %swap3A_283], %convert_element_type3A_281 {strides = array<i32>} : memref<24000x64xbf16, #tpu.memory_space<vmem>>, vector<1000x64xbf16>,
    %get3A_285 = arith.constant 0 : index
    %get3A_286 = arith.constant 0 : index
    %get3A_287 = vector.load %arg10[%get3A_285, %get3A_286] : memref<24000x64xbf16, #tpu.memory_space<vmem>>, vector<24000x64xbf16>
    %get3A_288 = arith.constant 0 : index
    %get3A_289 = arith.constant 0 : index
    %get3A_290 = vector.load %arg7[%get3A_288, %get3A_289] : memref<64x64xbf16, #tpu.memory_space<vmem>>, vector<64x64xbf16>
    %dot_general3A_291 = arith.constant dense<0.000000e+00> : vector<24000x64xf32>
    %dot_general3A_292 = tpu.matmul %get3A_287, %get3A_290, %dot_general3A_291 {dimension_numbers = #tpu.dot_dimension_numbers<[1], [0], [0], [1], [0, 0, 1, 1], [], []>, transpose_lhs_hint = false} : vector<24000x64xbf16>, vector<64x64xbf16>, vector<24000x64xf32> -> vector<24000x64xf32>
    %get3A_293 = arith.constant 0 : index
    %get3A_294 = arith.constant 0 : index
    %get3A_295 = vector.load %arg8[%get3A_293, %get3A_294] : memref<1x64xf32, #tpu.memory_space<vmem>>, vector<1x64xf32>
    %add3A_296 = vector.broadcast %get3A_295 : vector<1x64xf32> to vector<24000x64xf32>
    %add3A_297 = arith.addf %dot_general3A_292, %add3A_296 : vector<24000x64xf32>
    %swap3A_298 = arith.constant 0 : index
    %swap3A_299 = arith.constant 0 : index
    %swap3A_300 = vector.load %arg9[%swap3A_298, %swap3A_299] : memref<24000x64xf32, #tpu.memory_space<vmem>>, vector<24000x64xf32>
    tpu.vector_store %arg9[%swap3A_298, %swap3A_299], %add3A_297 {strides = array<i32>} : memref<24000x64xf32, #tpu.memory_space<vmem>>, vector<24000x64xf32>,
    return
  }
  func.func @transform_0(%arg0: i32) -> (i32, i32) {
    %c0_i32 = arith.constant 0 : i32
    %c0_i32_0 = arith.constant 0 : i32
    return %arg0, %c0_i32 : i32, i32
  }
  func.func @transform_1(%arg0: i32) -> (i32, i32) {
    %c0_i32 = arith.constant 0 : i32
    %c0_i32_0 = arith.constant 0 : i32
    %c0_i32_1 = arith.constant 0 : i32
    return %c0_i32, %c0_i32_0 : i32, i32
  }
  func.func @transform_2(%arg0: i32) -> (i32, i32) {
    %c0_i32 = arith.constant 0 : i32
    %c0_i32_0 = arith.constant 0 : i32
    %c0_i32_1 = arith.constant 0 : i32
    return %c0_i32, %c0_i32_0 : i32, i32
  }
  func.func @transform_3(%arg0: i32) -> (i32, i32) {
    %c0_i32 = arith.constant 0 : i32
    %c0_i32_0 = arith.constant 0 : i32
    %c0_i32_1 = arith.constant 0 : i32
    return %c0_i32, %c0_i32_0 : i32, i32
  }
  func.func @transform_4(%arg0: i32) -> (i32, i32) {
    %c0_i32 = arith.constant 0 : i32
    %c0_i32_0 = arith.constant 0 : i32
    %c0_i32_1 = arith.constant 0 : i32
    return %c0_i32, %c0_i32_0 : i32, i32
  }
  func.func @transform_5(%arg0: i32) -> (i32, i32) {
    %c0_i32 = arith.constant 0 : i32
    %c0_i32_0 = arith.constant 0 : i32
    %c0_i32_1 = arith.constant 0 : i32
    return %c0_i32, %c0_i32_0 : i32, i32
  }
  func.func @transform_6(%arg0: i32) -> (i32, i32) {
    %c0_i32 = arith.constant 0 : i32
    %c0_i32_0 = arith.constant 0 : i32
    %c0_i32_1 = arith.constant 0 : i32
    return %c0_i32, %c0_i32_0 : i32, i32
  }
  func.func @transform_7(%arg0: i32) -> (i32, i32) {
    %c0_i32 = arith.constant 0 : i32
    %c0_i32_0 = arith.constant 0 : i32
    %c0_i32_1 = arith.constant 0 : i32
    return %c0_i32, %c0_i32_0 : i32, i32
  }
  func.func @transform_8(%arg0: i32) -> (i32, i32) {
    %c0_i32 = arith.constant 0 : i32
    %c0_i32_0 = arith.constant 0 : i32
    return %arg0, %c0_i32 : i32, i32
  }
}

</mosaic_0001>

<sc_bundles>
// kernel: sparse-core-data-format-call.cloned.1.call-start
scs
called_computation_lowered:
.L_overlay_start_0:
0x0: {  	s2 =	sld [smem:$0x3FD9]  }
0x1: {  	s3 =	sld [smem:$0x3FFE];
	_ =	sdelay $0x1  }
0x2: {  	s1 =	srdreg.scid  }
0x3: {  	s0 =	sand.u32 $0x1, s1  }
0x4: {  	s18 =	sshll.u32 s0, $0xA;
	s2 =	sadd.s32 s3, s2  }
0x5: {  	s2 =	sadd.s32 s2, s18  }
0x6: {  	[smem:$0x3FC0] =	sst s2  }
0x7: {  	_ = 	snop  }
0x8: {  	s2 =	sld [smem:$0x3FD0];
	(tm) =	ssettm $0x1  }
0x9: {  	s19 =	sld [smem:$0x3FFB];
	_ =	sdelay $0x3  }
0xa: {  	_ =	strace s19  }
0xb: {  	s3 =	sld [smem:$0x3FFC];
	_ =	sdelay $0x3  }
0xc: {  	_ =	strace s3  }
0xd: {  	s3 =	sld [smem:$0x3FFD];
	_ =	sdelay $0x3  }
0xe: {  	_ =	strace s3  }
0xf: {  	_ =	strace $0x8FFFFFFF  }
0x10: {  	s20 =	sld [smem:$0x3FDB];
	_ =	sdelay $0x1  }
0x11: {  	s4 =	simm.s32 $_scs_section_size  }
0x12: {  	s5 =	simm.s32 $_size__tile_overlayer_lowered;
	s6 =	simm.s32 $_tile_overlayer_lowered  }
0x13: {  	s23 =	simm.s32 $0x1BFF;
	s22 =	sshll.u32 s6, $0x1;
	s3 =	sadd.s32 s4, s20  }
0x14: {  	s7 =	simm.s32 $0x0;
	s21 =	sshll.u32 s5, $0x1;
	s5 =	sadd.s32 s22, s3  }
0x15: {  	[timem:s7], [sflag:s23] =	dma.local [hbm:s5], s21  }
0x16: {  	_ =	swait.ge [sflag:s23], s21  }
0x17: {  	s4 =	ssub.s32 $0x0, s21;
	[sflag:s23] =	ssyncset.done $0x0  }
0x18: {  	[sflag:s23] =	ssyncadd.s32 s4;
	_ =	sdelay $0x1  }
0x19: {  	s24 =	simm.s32 $0x1B8B  }
0x1a: {  	_ =	swait.ge [sflag:s24], $0x1  }
0x1b: {  	[sflag:s24] =	ssyncset.done $0x0  }
0x1c: {  	s26 =	simm.s32 $0x1B8E;
	s25 =	sld [smem:$0x3FFE];
	[sflag:s24] =	ssyncadd.s32 $0xFFFFFFFF  }
0x1d: {  	s27 =	simm.s32 $execute0_lowered;
	[smem:$0x3FD2] =	sst s26  }
0x1e: {  	s5 =	sshll.u32 s27, $0x1;
	_ =	strace $0x80000046;
	[dreg:$0x1] =	wrdreg $0xFFFFFFFF  }
0x1f: {  	s28 =	simm.s32 $_size_execute0_lowered;
	s3 =	sadd.s32 s3, s5;
	[dreg:$0x0] =	wrdreg $0x0  }
0x20: {  	s5 =	sshll.u32 s28, $0x1;
	[dreg:$0x2] =	wrdreg s3  }
0x21: {  	[dreg:$0x3] =	wrdreg s5  }
0x22: {  	[dreg:$0x4] =	wrdreg $0xC0  }
0x23: {  	_ =	task [dreg:s7], $0x5FFFF  }
0x24: {  	[dreg:$0x1] =	wrdreg $0xFFFFFFFF  }
0x25: {  	[dreg:$0x0] =	wrdreg $0x60  }
0x26: {  	[dreg:$0x2] =	wrdreg s25  }
0x27: {  	[dreg:$0x3] =	wrdreg s2  }
0x28: {  	[dreg:$0x4] =	wrdreg $0x9  }
0x29: {  	_ =	task.clear_ibuf [dreg:s7], $0x5FFFF;
	_ =	strace $0x90000046  }
0x2a: {  	s29 =	simm.s32 $0x9;
	_ =	strace $0x80000048  }
0x2b: {  	_ =	swait.ge [sflag:s29], $0x1  }
0x2c: {  	[sflag:s29] =	ssyncadd.s32 $0xFFFFFFFF  }
0x2d: {  	_ =	strace $0x90000048  }
0x2e: {  	_ =	sfence  }
0x2f: {  	s30 =	sld [smem:$0x0];
	_ =	sdelay $0x2  }
0x30: {  	s31 =	sshll.u32 s1, $0xD;
	s1 =	sshrl.u32 s1, $0x2  }
0x31: {  	s3 =	sand.u32 $0x4000, s31;
	s1 =	sadd.s32 s1, s30  }
0x32: {  	s0 =	sor.u32 s3, s0;
	s1 =	sshll.u32 s1, $0x11  }
0x33: {  	s0 =	sor.u32 s1, s0  }
0x34: {  	s0 =	sadd.s32 $0x8F2B, s0  }
0x35: {  	[sflag:s0] =	ssyncadd.remote.s32 $0x1  }
0x36: {  	_ =	sfence.sel $0xFFFF  }
0x37: {  	[dreg:$0x0] =	wrdreg $0xFFFFFFFF;
	(pc) =	sbr.abs _section_cstart, $3  }
0x38: {  	[dreg:$0x1] =	wrdreg $0xFFFFFFFF  }
0x39: {  	_ =	task.clear_ibuf [dreg:s7], $0x2FFFF;
	_ =	strace $0x9FFFFFFF  }
0x3a: {  	(tm) =	ssettm $0x7FFFFFFF  }
0x3b: {  	_ =	shalt  }
tec
execute0_lowered:
.L_overlay_start_1:
0x0: {  	(tag) =	ssettag $0x1  }
0x1: {  	s1 =	rddreg [dreg:$0x0]  }
0x2: {  	s2 =	rddreg [dreg:$0x1]  }
0x3: {  	s0 =	rddreg [dreg:$0x2];
	_ =	strace $0x80000047;
	s4 =	srdreg.scid  }
0x4: {  	s6 =	simm.s32 $0x2;
	s11 =	simm.s32 $0x0;
	p0 =	por $0x0, $0x0  }
.Ltmp0:
0x5: {  	s12 =	simm.s32 $0x0;
	s13 =	simm.s32 $0x0;
	(pc) =	sbr.rel .LBB1_1-.Ltmp0, $4  }
0x6: {  	s9 =	simm.s32 $0x0;
	s10 =	stileid.u32;
	s7 =	simm.s32 $0x0  }
0x7: {  	s3 =	sadd.s32 $0x1C00, s1;
	s5 =	sshll.u32 s4, $0x7;
	s4 =	simm.s32 $0x1  }
0x8: {  	s1 =	stileid.u32;
	s5 =	sand.u32 $0x80, s5;
	[sflag:s4] =	ssyncpa.u1 $0x0  }
0x9: {  	[sflag:s6] =	ssyncpa.u1 $0x0;
	s6 =	simm.s32 $0x4000;
	s8 =	smov.u32 s5  }
.LBB1_5:
0xa: {  	s14 =	sadd.s32 $0x100, s8  }
0xb: {  	s11 =	simm.s32 $0x1;
	p2 =	sgt.s32 s14, $0x7CF  }
0xc: {  	s11 =	simm.s32 @!p2 $0x0  }
0xd: {  	s15 =	sadd.s32 s11, s9  }
0xe: {  	s17 =	smov.u32 s10;
	s11 =	sadd.s32 $0x10, s10;
	p3 =	sgt.s32 s15, $0xB  }
0xf: {  	p1 =	slt.u32 s7, $0x2;
	s17 =	smov.u32 @p3 s11  }
0x10: {  	s7 =	sadd.s32 $0x1, s7;
	s14 =	smov.u32 @p2 s5;
	p2 =	sgt.s32 s17, $0xF  }
0x11: {  	s17 =	smov.u32 @p2 s1;
	p2 =	sne.s32 s7, $0x62  }
.Ltmp1:
0x12: {  	s16 =	simm.s32 @!p1 $0x2;
	(pc) =	sbr.rel @!p2 .LBB1_6-.Ltmp1, $4  }
0x13: {  	s12 =	smov.u32 s9;
	_ =	swait.ge @!p1 [sflag:s16], $0x2000  }
0x14: {  	s13 =	smov.u32 s10;
	p0 =	por !p0, !p0;
	[sflag:s16] =	ssyncset.done @!p1 $0x0  }
0x15: {  	[sflag:s16] =	ssyncadd.s32 @!p1 $0xFFFFE000;
	s15 =	simm.s32 @p3 $0x0;
	s11 =	smov.u32 s8  }
0x16: {  	s8 =	smov.u32 s14;
	s9 =	smov.u32 s15;
	s10 =	smov.u32 s17  }
.LBB1_1:
0x17: {  	p1 =	sgt.u32 s7, $0x5F;
	s16 =	smov.u32 s10  }
0x18: {  	s18 =	smov.u32 s9;
	s14 =	sand.u32 @!p1 $0x1FFFFFF, s8;
	p2 =	sgt.s32 @!p1 s10, $0xF  }
0x19: {  	s17 =	sshra.s32 @!p1 s10, $0x1F;
	s19 =	sshra.s32 @!p1 s9, $0x1F;
	p2 =	por !p2, p1  }
0x1a: {  	s15 =	smulhi.u32 @!p1 $0x20C49BB, s14;
	s16 =	simm.s32 @p2 $0xF;
	p2 =	sgt.s32 @!p1 s9, $0xB  }
0x1b: {  	s17 =	sand.u32 @!p1 s17, s10;
	s19 =	sand.u32 @!p1 s19, s9;
	p2 =	por !p2, p1  }
0x1c: {  	s15 =	sshrl.u32 @!p1 s15, $0x4;
	s16 =	ssub.s32 @!p1 s16, s17;
	s18 =	simm.s32 @p2 $0xB  }
0x1d: {  	p2 =	sgt.s32 @!p1 s8, $0x750;
	s16 =	sadd.s32 @!p1 $0xFFFFFFF1, s16;
	s17 =	ssub.s32 @!p1 s18, s19  }
0x1e: {  	p2 =	por !p2, p1;
	s19 =	smov.u32 s8;
	s18 =	sadd.s32 @!p1 $0xFFFFFFF5, s17  }
0x1f: {  	s19 =	simm.s32 @p2 $0x750;
	p3 =	sgt.s32 @!p1 s18, $0x0;
	s18 =	sshra.s32 @!p1 s8, $0x1F  }
0x20: {  	p2 =	sgt.s32 @!p1 s16, $0x0;
	s16 =	sshll.u32 @!p1 s16, $0x6;
	s18 =	sand.u32 @!p1 s18, s8  }
0x21: {  	s17 =	ssub.s32 @!p1 $0xC, s17;
	s16 =	ssub.s32 @!p1 $0x40, s16;
	s18 =	ssub.s32 @!p1 s19, s18  }
0x22: {  	p2 =	por !p2, p1;
	p3 =	por !p3, p1;
	s19 =	sadd.s32 @!p1 $0xFFFFF8B0, s18  }
0x23: {  	s16 =	simm.s32 @!p2 $0x0;
	s17 =	simm.s32 @!p3 $0x0;
	p3 =	sgt.s32 @!p1 s19, $0x7F  }
0x24: {  	s18 =	ssub.s32 @!p1 $0x7D0, s18;
	s16 =	smul.u32 @!p1 s17, s16;
	p2 =	por !p3, p1  }
0x25: {  	s15 =	smul.u32 @!p1 $0x7D0, s15;
	s18 =	simm.s32 @!p2 $0x0  }
0x26: {  	s16 =	smul.u32 @!p1 s18, s16  }
0x27: {  	s18 =	smul.u32 @!p1 $0x5DC00, s10  }
0x28: {  	s14 =	ssub.s32 @!p1 s14, s15;
	s17 =	sxor.u32 @!p1 $0xFFFFFFFF, s7;
	s19 =	smul.u32 @!p1 $0x7D00, s9  }
0x29: {  	s14 =	sshll.u32 @!p1 s14, $0x4;
	s17 =	sshll.u32 @!p1 s17, $0xD;
	s15 =	sadd.s32 @!p1 s3, s18  }
0x2a: {  	s17 =	sand.u32 @!p1 $0x2000, s17;
	s16 =	sand.u32 @!p1 $0x3FFFFFC0, s16;
	s15 =	sadd.s32 @!p1 s19, s15  }
0x2b: {  	s18 =	simm.s32 @!p1 $0x80;
	s14 =	sadd.s32 @!p1 s14, s15;
	s15 =	simm.s32 @!p1 $0x40  }
0x2c: {  	[tilespmem:s17], [sflag:$0x1] =	stream.strided.gather @!p1 [hbm4b:s14+s15], s16, s18, s15, $0x38;
	[tilespmem:$0x8080] =	vst v63  }
0x2d: {  	p1 =	seq.s32 s7, $0x0  }
0x2e: {  	p2 =	seq.s32 @!p1 s7, $0x61  }
0x2f: {  	p1 =	por p1, p2  }
.Ltmp2:
0x30: {  	_ = 	snop;
	(pc) =	sbr.rel @p1 .LBB1_5-.Ltmp2, $1  }
0x31: {  	_ =	sdelay $0x3  }
0x32: {  	p1 =	sgt.s32 s13, $0xF  }
0x33: {  	s14 =	smov.u32 s13;
	s15 =	sshra.s32 s13, $0x1F;
	s16 =	sshra.s32 s12, $0x1F  }
0x34: {  	p2 =	sgt.s32 s11, $0x750;
	s14 =	simm.s32 @!p1 $0xF;
	s15 =	sand.u32 s15, s13  }
0x35: {  	s18 =	sshra.s32 s11, $0x1F;
	p1 =	sgt.s32 s12, $0xB;
	s14 =	ssub.s32 s14, s15  }
0x36: {  	s16 =	sand.u32 s16, s12;
	s15 =	smov.u32 s12;
	s14 =	sadd.s32 $0xFFFFFFF1, s14  }
0x37: {  	s26 =	sand.u32 s18, s11;
	s15 =	simm.s32 @!p1 $0xB;
	p1 =	sgt.s32 s14, $0x0  }
0x38: {  	s15 =	ssub.s32 s15, s16;
	s16 =	smov.u32 s11;
	s14 =	sshll.u32 s14, $0x6  }
0x39: {  	s17 =	sadd.s32 $0xFFFFFFF5, s15;
	s16 =	simm.s32 @!p2 $0x750;
	s15 =	ssub.s32 $0xC, s15  }
0x3a: {  	s14 =	ssub.s32 $0x40, s14;
	p2 =	sgt.s32 s17, $0x0;
	s16 =	ssub.s32 s16, s26  }
0x3b: {  	s14 =	simm.s32 @p1 $0x0;
	s15 =	simm.s32 @p2 $0x0;
	s17 =	sadd.s32 $0xFFFFF8B0, s16  }
0x3c: {  	s16 =	ssub.s32 $0x7D0, s16;
	p1 =	sgt.s32 s17, $0x7F;
	s14 =	smul.u32 s15, s14  }
0x3d: {  	s16 =	simm.s32 @p1 $0x0  }
0x3e: {  	s14 =	smul.u32 s16, s14;
	_ =	sdelay $0x1  }
0x3f: {  	s15 =	simm.s32 $0x1;
	s14 =	sand.u32 $0x3FFFFFC0, s14  }
0x40: {  	s15 =	simm.s32 @!p0 $0x0;
	_ =	swait.ge [sflag:s4], s14  }
0x41: {  	s27 =	sshll.u32 s15, $0xD;
	s14 =	ssub.s32 $0x0, s14;
	[sflag:s4] =	ssyncset.done $0x0  }
0x42: {  	s28 =	sor.u32 $0x20, s27;
	[sflag:s4] =	ssyncadd.s32 s14  }
0x43: {  	s29 =	smul.u32 $0x8100, s15;
	v3 =	vld [tilespmem:s28+$0x10]  }
0x44: {  	s30 =	sand.u32 $0x1, s7;
	v2 =	vld [tilespmem:s28+$0xFFFFFFF0]  }
0x45: {  	s15 =	smul.u32 $0x8100, s30;
	s14 =	sshrl.u32 s29, $0x2;
	v0 =	vld [tilespmem:s28+$0x0]  }
0x46: {  	s16 =	sor.u32 $0x4000, s14;
	v1 =	vld [tilespmem:s28+$0xFFFFFFE0]  }
0x47: {  	s31 =	sshrl.u32 s15, $0x2;
	s15 =	sadd.s32 $0x0, s16  }
0x48: {  	s17 =	simm.s32 $0x4;
	s18 =	sadd.s32 $0x40, s28;
	s14 =	sor.u32 $0x4000, s31;
	[tilespmem:s15+$0x1830 ss:$0x81] =	vst.msk $0xffff, v3  }
.LBB1_3:
0x49: {  	v3 =	vld [tilespmem:s18+$0x10];
	p1 =	sne.s32 s17, $0x1FC;
	[tilespmem:s15+$0x810 ss:$0x81] =	vst.msk $0xffff, v2;
	s19 =	smov.u32 s17;
	s17 =	sadd.s32 $0x4, s17  }
.Ltmp3:
0x4a: {  	v2 =	vld [tilespmem:s18+$0xFFFFFFF0];
	[tilespmem:s15+$0x1020 ss:$0x81] =	vst.msk $0xffff, v0;
	(pc) =	sbr.rel @p1 .LBB1_3-.Ltmp3, $4  }
0x4b: {  	v0 =	vld [tilespmem:s18+$0x0];
	[tilespmem:s15+$0x0 ss:$0x81] =	vst.msk $0xffff, v1  }
0x4c: {  	s15 =	sshra.s32 s19, $0x2;
	v1 =	vld [tilespmem:s18+$0xFFFFFFE0]  }
0x4d: {  	s15 =	sadd.s32 s15, s16  }
0x4e: {  	s18 =	sadd.s32 $0x40, s18;
	[tilespmem:s15+$0x1830 ss:$0x81] =	vst.msk $0xffff, v3  }
0x4f: {  	s16 =	sshll.u32 s11, $0x3;
	s13 =	smul.u32 $0x30000, s13  }
0x50: {  	s17 =	sand.u32 $0x78, s11;
	s12 =	sshll.u32 s12, $0xE;
	s30 =	sand.u32 $0x3F00, s11  }
.Ltmp4:
0x51: {  	s16 =	sand.u32 $0x400, s16;
	s13 =	sadd.s32 s2, s13;
	(pc) =	sbr.rel .LBB1_5-.Ltmp4, $4  }
0x52: {  	[tilespmem:s15+$0x810 ss:$0x81] =	vst.msk $0xffff, v2;
	s31 =	sand.u32 $0x7, s11;
	s16 =	sor.u32 s17, s16;
	s12 =	sadd.s32 s12, s13  }
0x53: {  	[tilespmem:s15+$0x1020 ss:$0x81] =	vst.msk $0xffff, v0;
	s11 =	sshll.u32 s31, $0x12;
	s16 =	sshrl.u32 s16, $0x3;
	s12 =	sadd.s32 s30, s12  }
0x54: {  	[tilespmem:s15+$0x0 ss:$0x81] =	vst.msk $0xffff, v1;
	s11 =	sor.u32 $0x400, s11;
	s12 =	sadd.s32 s16, s12  }
0x55: {  	[hbm4b:s12+s11] =	stream.strided.scatter [tilespmem:s14], [sflag:$0x2], $0x2000, s6, s11, $0x20;
	[tilespmem:$0x8080] =	vst v63  }
.LBB1_6:
0x56: {  	_ =	sfence.sel $0x180000  }
0x57: {  	s2 =	simm.s32 $0x1;
	[bflag:$0x0] =	sbarrier.arrive $0xFFFF  }
0x58: {  	s31 =	simm.s32 $0x2;
	[sflag:s2] =	ssyncpa.u1 $0x1  }
0x59: {  	[sflag:s31] =	ssyncpa.u1 $0x1  }
0x5a: {  	p0 =	sne.s32 s1, $0x0;
	_ =	strace $0x90000047  }
0x5b: {  	s0 =	sadd.s32 @!p0 $0x100000, s0;
	[bflag:$0x2] =	sbarrier.arrive $0xFFFF  }
0x5c: {  	[sflag:s0] =	ssyncadd.tile.s32 @!p0 $0x1;
	_ =	shalt  }
.Lfunc_end1:
_tile_overlayer_lowered:
.L_overlay_start_2:
0x5d: {  	(tag) =	ssettag $0x2  }
0x5e: {  	s0 =	rddreg [dreg:$0x0];
	s2 =	stileid.u32  }
0x5f: {  	s1 =	rddreg [dreg:$0x1];
	p0 =	sne.s32 s2, $0x0  }
0x60: {  	s3 =	rddreg [dreg:$0x2];
	[bflag:$0x3] =	sbarrier.arrive $0xFFFF;
	s2 =	simm.s32 @!p0 $0x1C01  }
0x61: {  	[timem:s3], [sflag:s2] =	dma.local @!p0 [hbm:s0], s1  }
0x62: {  	s0 =	simm.s32 @!p0 $0x1  }
0x63: {  	_ =	swait.ge @!p0 [sflag:s0], s1  }
0x64: {  	s1 =	ssub.s32 @!p0 $0x0, s1;
	[sflag:s0] =	ssyncset.done @!p0 $0x0  }
0x65: {  	[sflag:s0] =	ssyncadd.s32 @!p0 s1  }
0x66: {  	[bflag:$0x3] =	sbarrier.arrive $0xFFFF  }
0x67: {  	_ =	shalt  }

</sc_bundles>
